<compile_context>
chip_gen: v7x
topology: tpu7x:2x2x1
jax: 0.10.2.dev20260603
libtpu: 0.0.44.dev20260713+nightly
codegen_flags: <defaults>
</compile_context>

<pallas_src>
import functools

import jax
import jax.numpy as jnp
from jax import lax
from jax.experimental import pallas as pl
from jax.experimental.pallas import tpu as pltpu
from jax.experimental.pallas import tpu_sc as plsc

_B = 16
_H = 12
_S = 577
_L = 16
_NCHUNK = 37
_SP = _NCHUNK * _L


def _sc_body(x_ref, out_ref, rows, mv16, outv, sem):
    model = lax.axis_index("c")
    b = lax.axis_index("s")

    cp = pltpu.make_async_copy(x_ref.at[model, b], rows, sem)
    cp.start()
    cp.wait()

    lane = lax.iota(jnp.int32, _L)

    def head_sum(ci):
        acc = rows[0, pl.ds(ci * _L, _L)]
        for h in range(1, _H):
            acc = acc + rows[h, pl.ds(ci * _L, _L)]
        return acc

    mv16[...] = head_sum(1)
    v19 = plsc.load_gather(mv16, [jnp.full((_L,), 3, jnp.int32)])
    v20 = plsc.load_gather(mv16, [jnp.full((_L,), 4, jnp.int32)])
    v21 = plsc.load_gather(mv16, [jnp.full((_L,), 5, jnp.int32)])

    def count_chunk(ci, carry):
        c19, c20, c21 = carry
        x = head_sum(ci)
        gidx = ci * _L + lane
        valid = gidx < _S

        def cnt(vk, k, cacc):
            hit = ((x < vk) & valid) | ((x == vk) & (gidx < k))
            return cacc + plsc.all_reduce_population_count(hit)

        return (cnt(v19, 19, c19), cnt(v20, 20, c20), cnt(v21, 21, c21))

    zi = jnp.zeros((_L,), jnp.int32)
    c19, c20, c21 = lax.fori_loop(0, _NCHUNK, count_chunk, (zi, zi, zi))

    rank = jnp.where(lane == 0, c19, jnp.where(lane == 1, c20, c21))
    rank = jnp.where(lane < 3, rank, 0)
    outv[...] = rank.astype(jnp.float32)
    pltpu.make_async_copy(outv, out_ref.at[model, b, :], sem).start()
    pltpu.make_async_copy(outv, out_ref.at[model, b, :], sem).wait()


_sc_call = functools.partial(
    pl.kernel,
    out_type=jax.ShapeDtypeStruct((2, _B, _L), jnp.float32),
    mesh=plsc.VectorSubcoreMesh(core_axis_name="c", subcore_axis_name="s"),
    compiler_params=pltpu.CompilerParams(
        use_tc_tiling_on_sc=False, needs_layout_passes=False,
        skip_device_barrier=True),
    scratch_types=[
        pltpu.VMEM((_H, _SP), jnp.float32),
        pltpu.VMEM((_L,), jnp.float32),
        pltpu.VMEM((_L,), jnp.float32),
        pltpu.SemaphoreType.DMA,
    ],
)(_sc_body)


def kernel(attn1, attn2):
    x = jnp.stack((attn1[:, :, 0, :], attn2[:, :, 0, :]))
    x = jnp.pad(x, ((0, 0), (0, 0), (0, 0), (0, _SP - _S)))
    ranks = _sc_call(x)
    return (ranks[0, :, :3] + ranks[1, :, :3]) * 0.5 + 1.0

# --- scband reference (transcript-rebuilt; emitter-appended) ---
"""Pipeline reference for scband-attention-check-9964324127409 (READ-ONLY COPY).

The authoritative reference and input builder live on the scoring server;
editing this copy changes nothing except your own understanding.
"""

import jax, jax.numpy as jnp
import numpy as np


def _rank(x):
    # x: [B, H, S, S]; take CLS query row, average over heads
    cls_attn_avg_head = jnp.mean(x[:, :, 0, :], axis=1)  # [B, S]
    # torch .sort(dim=1, descending=False) returns indices = argsort ascending
    idx = jnp.argsort(cls_attn_avg_head, axis=1)  # [B, S]
    # (idx == k).nonzero()[:, 1] == column position where idx equals k, per batch row
    rank_19 = jnp.argmax(idx == 19, axis=1)
    rank_20 = jnp.argmax(idx == 20, axis=1)
    rank_21 = jnp.argmax(idx == 21, axis=1)
    rank_allSite = jnp.stack((rank_19, rank_20, rank_21), axis=1) + 1  # [B, 3]
    return rank_allSite


def setup_inputs(seed: int = 0) -> dict:
    key = jax.random.key(seed)
    k1, k2 = jax.random.split(key)
    attn1 = jax.random.normal(k1, (16, 12, 577, 577), dtype=jnp.float32)
    attn2 = jax.random.normal(k2, (16, 12, 577, 577), dtype=jnp.float32)
    return {"attn1": attn1, "attn2": attn2}


def reference(attn1, attn2):
    # attn1 is not None in this configuration -> take the two-model branch
    rank_allSite_model1 = _rank(attn1).astype(jnp.float32)
    rank_allSite_model2 = _rank(attn2).astype(jnp.float32)
    models_stack = jnp.stack((rank_allSite_model1, rank_allSite_model2), axis=1)  # [B, 2, 3]
    rank_allSite_models_avg = jnp.mean(models_stack, axis=1)  # [B, 3]
    return rank_allSite_models_avg

if __name__ == "__main__":
    import jax
    _d = setup_inputs()
    print(jax.jit(kernel)(*tuple(_d.values())))

</pallas_src>

<mosaic_0001>
#map = affine_map<(d0, d1) -> (0, 0, 0, 0)>
#map1 = affine_map<(d0, d1) -> (0, 0, 0)>
module attributes {stable_mosaic.version = 14 : i64} {
  func.func @_sc_body(%arg0: i32, %arg1: i32, %arg2: memref<2x16x12x592xf32, #tpu.memory_space<hbm>>, %arg3: memref<2x16x16xf32, #tpu.memory_space<hbm>>, %arg4: memref<12x592xf32, #tpu.memory_space<vmem>>, %arg5: memref<16xf32, #tpu.memory_space<vmem>>, %arg6: memref<16xf32, #tpu.memory_space<vmem>>, %arg7: memref<!tpu.dma_semaphore, #tpu.memory_space<semaphore_mem>>) attributes {dimension_semantics = [#tpu.dimension_semantics<core_parallel>, #tpu.dimension_semantics<subcore_parallel>], iteration_bounds = array<i64: 2, 16>, scalar_prefetch = 0 : i64, scratch_operands = 4 : i64, tpu.core_type = #tpu.core_type<sc_vector_subcore>, window_params = [{transform_indices = #map}, {transform_indices = #map1}]} {
    %dma_start3A = arith.constant 0 : i32
    %dma_start3A_0 = arith.constant 0 : i32
    %dma_start3A_1 = tpu.memref_slice %arg2[%arg0, %arg1, %dma_start3A, %dma_start3A_0] : memref<2x16x12x592xf32, #tpu.memory_space<hbm>> -> memref<1x1x12x592xf32, #tpu.memory_space<hbm>>
    %dma_start3A_2 = tpu.memref_squeeze %dma_start3A_1 : memref<1x1x12x592xf32, #tpu.memory_space<hbm>> -> memref<12x592xf32, #tpu.memory_space<hbm>>
    %dma_start3A_3 = arith.constant 0 : i32
    %dma_start3A_4 = arith.constant 0 : i32
    %dma_start3A_5 = tpu.memref_slice %arg2[%arg0, %arg1, %dma_start3A_3, %dma_start3A_4] : memref<2x16x12x592xf32, #tpu.memory_space<hbm>> -> memref<1x1x12x592xf32, #tpu.memory_space<hbm>>
    %dma_start3A_6 = tpu.memref_squeeze %dma_start3A_5 : memref<1x1x12x592xf32, #tpu.memory_space<hbm>> -> memref<12x592xf32, #tpu.memory_space<hbm>>
    tpu.enqueue_dma source(%dma_start3A_6 : memref<12x592xf32, #tpu.memory_space<hbm>>) target(%arg4 : memref<12x592xf32, #tpu.memory_space<vmem>>) target_semaphore(%arg7 : memref<!tpu.dma_semaphore, #tpu.memory_space<semaphore_mem>>)
    %dma_wait3A = arith.constant 0 : i32
    %dma_wait3A_7 = arith.constant 0 : i32
    %dma_wait3A_8 = tpu.memref_slice %arg2[%arg0, %arg1, %dma_wait3A, %dma_wait3A_7] : memref<2x16x12x592xf32, #tpu.memory_space<hbm>> -> memref<1x1x12x592xf32, #tpu.memory_space<hbm>>
    %dma_wait3A_9 = tpu.memref_squeeze %dma_wait3A_8 : memref<1x1x12x592xf32, #tpu.memory_space<hbm>> -> memref<12x592xf32, #tpu.memory_space<hbm>>
    %dma_wait3A_10 = arith.constant 0 : i32
    %dma_wait3A_11 = arith.constant 0 : i32
    %dma_wait3A_12 = tpu.memref_slice %arg2[%arg0, %arg1, %dma_wait3A_10, %dma_wait3A_11] : memref<2x16x12x592xf32, #tpu.memory_space<hbm>> -> memref<1x1x12x592xf32, #tpu.memory_space<hbm>>
    %dma_wait3A_13 = tpu.memref_squeeze %dma_wait3A_12 : memref<1x1x12x592xf32, #tpu.memory_space<hbm>> -> memref<12x592xf32, #tpu.memory_space<hbm>>
    tpu.wait_dma2 semaphore(%arg7 : memref<!tpu.dma_semaphore, #tpu.memory_space<semaphore_mem>>) src(%dma_wait3A_13 : memref<12x592xf32, #tpu.memory_space<hbm>>) dst(%arg4 : memref<12x592xf32, #tpu.memory_space<vmem>>)
    %iota3A = tpu.iota {dimensions = array<i32: 0>} : vector<16xi32>
    %get3A = arith.constant 0 : i32
    %get3A_14 = arith.index_cast %get3A : i32 to index
    %get3A_15 = arith.constant 16 : index
    %get3A_16 = tpu.vector_load %arg4[%get3A_14, %get3A_15] {strides = array<i32>} : memref<12x592xf32, #tpu.memory_space<vmem>>, vector<16xf32>,
    %get3A_17 = arith.constant 1 : i32
    %get3A_18 = arith.index_cast %get3A_17 : i32 to index
    %get3A_19 = arith.constant 16 : index
    %get3A_20 = tpu.vector_load %arg4[%get3A_18, %get3A_19] {strides = array<i32>} : memref<12x592xf32, #tpu.memory_space<vmem>>, vector<16xf32>,
    %add3A = arith.addf %get3A_16, %get3A_20 : vector<16xf32>
    %get3A_21 = arith.constant 2 : i32
    %get3A_22 = arith.index_cast %get3A_21 : i32 to index
    %get3A_23 = arith.constant 16 : index
    %get3A_24 = tpu.vector_load %arg4[%get3A_22, %get3A_23] {strides = array<i32>} : memref<12x592xf32, #tpu.memory_space<vmem>>, vector<16xf32>,
    %add3A_25 = arith.addf %add3A, %get3A_24 : vector<16xf32>
    %get3A_26 = arith.constant 3 : i32
    %get3A_27 = arith.index_cast %get3A_26 : i32 to index
    %get3A_28 = arith.constant 16 : index
    %get3A_29 = tpu.vector_load %arg4[%get3A_27, %get3A_28] {strides = array<i32>} : memref<12x592xf32, #tpu.memory_space<vmem>>, vector<16xf32>,
    %add3A_30 = arith.addf %add3A_25, %get3A_29 : vector<16xf32>
    %get3A_31 = arith.constant 4 : i32
    %get3A_32 = arith.index_cast %get3A_31 : i32 to index
    %get3A_33 = arith.constant 16 : index
    %get3A_34 = tpu.vector_load %arg4[%get3A_32, %get3A_33] {strides = array<i32>} : memref<12x592xf32, #tpu.memory_space<vmem>>, vector<16xf32>,
    %add3A_35 = arith.addf %add3A_30, %get3A_34 : vector<16xf32>
    %get3A_36 = arith.constant 5 : i32
    %get3A_37 = arith.index_cast %get3A_36 : i32 to index
    %get3A_38 = arith.constant 16 : index
    %get3A_39 = tpu.vector_load %arg4[%get3A_37, %get3A_38] {strides = array<i32>} : memref<12x592xf32, #tpu.memory_space<vmem>>, vector<16xf32>,
    %add3A_40 = arith.addf %add3A_35, %get3A_39 : vector<16xf32>
    %get3A_41 = arith.constant 6 : i32
    %get3A_42 = arith.index_cast %get3A_41 : i32 to index
    %get3A_43 = arith.constant 16 : index
    %get3A_44 = tpu.vector_load %arg4[%get3A_42, %get3A_43] {strides = array<i32>} : memref<12x592xf32, #tpu.memory_space<vmem>>, vector<16xf32>,
    %add3A_45 = arith.addf %add3A_40, %get3A_44 : vector<16xf32>
    %get3A_46 = arith.constant 7 : i32
    %get3A_47 = arith.index_cast %get3A_46 : i32 to index
    %get3A_48 = arith.constant 16 : index
    %get3A_49 = tpu.vector_load %arg4[%get3A_47, %get3A_48] {strides = array<i32>} : memref<12x592xf32, #tpu.memory_space<vmem>>, vector<16xf32>,
    %add3A_50 = arith.addf %add3A_45, %get3A_49 : vector<16xf32>
    %get3A_51 = arith.constant 8 : i32
    %get3A_52 = arith.index_cast %get3A_51 : i32 to index
    %get3A_53 = arith.constant 16 : index
    %get3A_54 = tpu.vector_load %arg4[%get3A_52, %get3A_53] {strides = array<i32>} : memref<12x592xf32, #tpu.memory_space<vmem>>, vector<16xf32>,
    %add3A_55 = arith.addf %add3A_50, %get3A_54 : vector<16xf32>
    %get3A_56 = arith.constant 9 : i32
    %get3A_57 = arith.index_cast %get3A_56 : i32 to index
    %get3A_58 = arith.constant 16 : index
    %get3A_59 = tpu.vector_load %arg4[%get3A_57, %get3A_58] {strides = array<i32>} : memref<12x592xf32, #tpu.memory_space<vmem>>, vector<16xf32>,
    %add3A_60 = arith.addf %add3A_55, %get3A_59 : vector<16xf32>
    %get3A_61 = arith.constant 10 : i32
    %get3A_62 = arith.index_cast %get3A_61 : i32 to index
    %get3A_63 = arith.constant 16 : index
    %get3A_64 = tpu.vector_load %arg4[%get3A_62, %get3A_63] {strides = array<i32>} : memref<12x592xf32, #tpu.memory_space<vmem>>, vector<16xf32>,
    %add3A_65 = arith.addf %add3A_60, %get3A_64 : vector<16xf32>
    %get3A_66 = arith.constant 11 : i32
    %get3A_67 = arith.index_cast %get3A_66 : i32 to index
    %get3A_68 = arith.constant 16 : index
    %get3A_69 = tpu.vector_load %arg4[%get3A_67, %get3A_68] {strides = array<i32>} : memref<12x592xf32, #tpu.memory_space<vmem>>, vector<16xf32>,
    %add3A_70 = arith.addf %add3A_65, %get3A_69 : vector<16xf32>
    %swap3A = arith.constant 0 : index
    %swap3A_71 = tpu.vector_load %arg5[%swap3A] {strides = array<i32>} : memref<16xf32, #tpu.memory_space<vmem>>, vector<16xf32>,
    tpu.vector_store %arg5[%swap3A], %add3A_70 {strides = array<i32>} : memref<16xf32, #tpu.memory_space<vmem>>, vector<16xf32>,
    %broadcast_in_dim3A = arith.constant 3 : i32
    %broadcast_in_dim3A_72 = vector.broadcast %broadcast_in_dim3A : i32 to vector<16xi32>
    %gather3A = tpu.vector_load_idx %arg5[%broadcast_in_dim3A_72] : memref<16xf32, #tpu.memory_space<vmem>>[vector<16xi32>], vector<16xf32>,
    %broadcast_in_dim3A_73 = arith.constant 4 : i32
    %broadcast_in_dim3A_74 = vector.broadcast %broadcast_in_dim3A_73 : i32 to vector<16xi32>
    %gather3A_75 = tpu.vector_load_idx %arg5[%broadcast_in_dim3A_74] : memref<16xf32, #tpu.memory_space<vmem>>[vector<16xi32>], vector<16xf32>,
    %broadcast_in_dim3A_76 = arith.constant 5 : i32
    %broadcast_in_dim3A_77 = vector.broadcast %broadcast_in_dim3A_76 : i32 to vector<16xi32>
    %gather3A_78 = tpu.vector_load_idx %arg5[%broadcast_in_dim3A_77] : memref<16xf32, #tpu.memory_space<vmem>>[vector<16xi32>], vector<16xf32>,
    %broadcast_in_dim3A_79 = arith.constant 0 : i32
    %broadcast_in_dim3A_80 = vector.broadcast %broadcast_in_dim3A_79 : i32 to vector<16xi32>
    %scan3A = arith.constant 0 : i32
    %scan3A_81 = arith.constant 37 : i32
    %scan3A_82 = arith.addi %scan3A, %scan3A_81 : i32
    %scan3A_83 = arith.constant 1 : i32
    %scan3A_84:3 = scf.for %scan3A_110 = %scan3A to %scan3A_82 step %scan3A_83 iter_args(%scan3A_111 = %broadcast_in_dim3A_80, %scan3A_112 = %broadcast_in_dim3A_80, %scan3A_113 = %broadcast_in_dim3A_80) -> (vector<16xi32>, vector<16xi32>, vector<16xi32>)  : i32 {
      %mul3A = arith.constant 16 : i32
      %mul3A_114 = arith.muli %scan3A_110, %mul3A : i32
      %get3A_115 = arith.constant 0 : i32
      %get3A_116 = arith.index_cast %get3A_115 : i32 to index
      %get3A_117 = arith.index_cast %mul3A_114 : i32 to index
      %get3A_118 = tpu.vector_load %arg4[%get3A_116, %get3A_117] {strides = array<i32>} : memref<12x592xf32, #tpu.memory_space<vmem>>, vector<16xf32>,
      %mul3A_119 = arith.constant 16 : i32
      %mul3A_120 = arith.muli %scan3A_110, %mul3A_119 : i32
      %get3A_121 = arith.constant 1 : i32
      %get3A_122 = arith.index_cast %get3A_121 : i32 to index
      %get3A_123 = arith.index_cast %mul3A_120 : i32 to index
      %get3A_124 = tpu.vector_load %arg4[%get3A_122, %get3A_123] {strides = array<i32>} : memref<12x592xf32, #tpu.memory_space<vmem>>, vector<16xf32>,
      %add3A_125 = arith.addf %get3A_118, %get3A_124 : vector<16xf32>
      %mul3A_126 = arith.constant 16 : i32
      %mul3A_127 = arith.muli %scan3A_110, %mul3A_126 : i32
      %get3A_128 = arith.constant 2 : i32
      %get3A_129 = arith.index_cast %get3A_128 : i32 to index
      %get3A_130 = arith.index_cast %mul3A_127 : i32 to index
      %get3A_131 = tpu.vector_load %arg4[%get3A_129, %get3A_130] {strides = array<i32>} : memref<12x592xf32, #tpu.memory_space<vmem>>, vector<16xf32>,
      %add3A_132 = arith.addf %add3A_125, %get3A_131 : vector<16xf32>
      %mul3A_133 = arith.constant 16 : i32
      %mul3A_134 = arith.muli %scan3A_110, %mul3A_133 : i32
      %get3A_135 = arith.constant 3 : i32
      %get3A_136 = arith.index_cast %get3A_135 : i32 to index
      %get3A_137 = arith.index_cast %mul3A_134 : i32 to index
      %get3A_138 = tpu.vector_load %arg4[%get3A_136, %get3A_137] {strides = array<i32>} : memref<12x592xf32, #tpu.memory_space<vmem>>, vector<16xf32>,
      %add3A_139 = arith.addf %add3A_132, %get3A_138 : vector<16xf32>
      %mul3A_140 = arith.constant 16 : i32
      %mul3A_141 = arith.muli %scan3A_110, %mul3A_140 : i32
      %get3A_142 = arith.constant 4 : i32
      %get3A_143 = arith.index_cast %get3A_142 : i32 to index
      %get3A_144 = arith.index_cast %mul3A_141 : i32 to index
      %get3A_145 = tpu.vector_load %arg4[%get3A_143, %get3A_144] {strides = array<i32>} : memref<12x592xf32, #tpu.memory_space<vmem>>, vector<16xf32>,
      %add3A_146 = arith.addf %add3A_139, %get3A_145 : vector<16xf32>
      %mul3A_147 = arith.constant 16 : i32
      %mul3A_148 = arith.muli %scan3A_110, %mul3A_147 : i32
      %get3A_149 = arith.constant 5 : i32
      %get3A_150 = arith.index_cast %get3A_149 : i32 to index
      %get3A_151 = arith.index_cast %mul3A_148 : i32 to index
      %get3A_152 = tpu.vector_load %arg4[%get3A_150, %get3A_151] {strides = array<i32>} : memref<12x592xf32, #tpu.memory_space<vmem>>, vector<16xf32>,
      %add3A_153 = arith.addf %add3A_146, %get3A_152 : vector<16xf32>
      %mul3A_154 = arith.constant 16 : i32
      %mul3A_155 = arith.muli %scan3A_110, %mul3A_154 : i32
      %get3A_156 = arith.constant 6 : i32
      %get3A_157 = arith.index_cast %get3A_156 : i32 to index
      %get3A_158 = arith.index_cast %mul3A_155 : i32 to index
      %get3A_159 = tpu.vector_load %arg4[%get3A_157, %get3A_158] {strides = array<i32>} : memref<12x592xf32, #tpu.memory_space<vmem>>, vector<16xf32>,
      %add3A_160 = arith.addf %add3A_153, %get3A_159 : vector<16xf32>
      %mul3A_161 = arith.constant 16 : i32
      %mul3A_162 = arith.muli %scan3A_110, %mul3A_161 : i32
      %get3A_163 = arith.constant 7 : i32
      %get3A_164 = arith.index_cast %get3A_163 : i32 to index
      %get3A_165 = arith.index_cast %mul3A_162 : i32 to index
      %get3A_166 = tpu.vector_load %arg4[%get3A_164, %get3A_165] {strides = array<i32>} : memref<12x592xf32, #tpu.memory_space<vmem>>, vector<16xf32>,
      %add3A_167 = arith.addf %add3A_160, %get3A_166 : vector<16xf32>
      %mul3A_168 = arith.constant 16 : i32
      %mul3A_169 = arith.muli %scan3A_110, %mul3A_168 : i32
      %get3A_170 = arith.constant 8 : i32
      %get3A_171 = arith.index_cast %get3A_170 : i32 to index
      %get3A_172 = arith.index_cast %mul3A_169 : i32 to index
      %get3A_173 = tpu.vector_load %arg4[%get3A_171, %get3A_172] {strides = array<i32>} : memref<12x592xf32, #tpu.memory_space<vmem>>, vector<16xf32>,
      %add3A_174 = arith.addf %add3A_167, %get3A_173 : vector<16xf32>
      %mul3A_175 = arith.constant 16 : i32
      %mul3A_176 = arith.muli %scan3A_110, %mul3A_175 : i32
      %get3A_177 = arith.constant 9 : i32
      %get3A_178 = arith.index_cast %get3A_177 : i32 to index
      %get3A_179 = arith.index_cast %mul3A_176 : i32 to index
      %get3A_180 = tpu.vector_load %arg4[%get3A_178, %get3A_179] {strides = array<i32>} : memref<12x592xf32, #tpu.memory_space<vmem>>, vector<16xf32>,
      %add3A_181 = arith.addf %add3A_174, %get3A_180 : vector<16xf32>
      %mul3A_182 = arith.constant 16 : i32
      %mul3A_183 = arith.muli %scan3A_110, %mul3A_182 : i32
      %get3A_184 = arith.constant 10 : i32
      %get3A_185 = arith.index_cast %get3A_184 : i32 to index
      %get3A_186 = arith.index_cast %mul3A_183 : i32 to index
      %get3A_187 = tpu.vector_load %arg4[%get3A_185, %get3A_186] {strides = array<i32>} : memref<12x592xf32, #tpu.memory_space<vmem>>, vector<16xf32>,
      %add3A_188 = arith.addf %add3A_181, %get3A_187 : vector<16xf32>
      %mul3A_189 = arith.constant 16 : i32
      %mul3A_190 = arith.muli %scan3A_110, %mul3A_189 : i32
      %get3A_191 = arith.constant 11 : i32
      %get3A_192 = arith.index_cast %get3A_191 : i32 to index
      %get3A_193 = arith.index_cast %mul3A_190 : i32 to index
      %get3A_194 = tpu.vector_load %arg4[%get3A_192, %get3A_193] {strides = array<i32>} : memref<12x592xf32, #tpu.memory_space<vmem>>, vector<16xf32>,
      %add3A_195 = arith.addf %add3A_188, %get3A_194 : vector<16xf32>
      %mul3A_196 = arith.constant 16 : i32
      %mul3A_197 = arith.muli %scan3A_110, %mul3A_196 : i32
      %add3A_198 = vector.broadcast %mul3A_197 : i32 to vector<16xi32>
      %add3A_199 = arith.addi %add3A_198, %iota3A : vector<16xi32>
      %lt3A_200 = arith.constant 577 : i32
      %lt3A_201 = vector.broadcast %lt3A_200 : i32 to vector<16xi32>
      %lt3A_202 = arith.cmpi slt, %add3A_199, %lt3A_201 : vector<16xi32>
      %lt3A_203 = arith.cmpf olt, %add3A_195, %gather3A : vector<16xf32>
      %and3A = arith.andi %lt3A_203, %lt3A_202 : vector<16xi1>
      %eq3A_204 = arith.cmpf oeq, %add3A_195, %gather3A : vector<16xf32>
      %lt3A_205 = arith.constant 19 : i32
      %lt3A_206 = vector.broadcast %lt3A_205 : i32 to vector<16xi32>
      %lt3A_207 = arith.cmpi slt, %add3A_199, %lt3A_206 : vector<16xi32>
      %and3A_208 = arith.andi %eq3A_204, %lt3A_207 : vector<16xi1>
      %or3A = arith.ori %and3A, %and3A_208 : vector<16xi1>
      %all_reduce_population_count3A = tpu.all_reduce %or3A {dim = 0 : i64, kind = #tpu.reduction_kind<sum>} : vector<16xi1> -> vector<16xi32>
      %add3A_209 = arith.addi %scan3A_111, %all_reduce_population_count3A : vector<16xi32>
      %lt3A_210 = arith.cmpf olt, %add3A_195, %gather3A_75 : vector<16xf32>
      %and3A_211 = arith.andi %lt3A_210, %lt3A_202 : vector<16xi1>
      %eq3A_212 = arith.cmpf oeq, %add3A_195, %gather3A_75 : vector<16xf32>
      %lt3A_213 = arith.constant 20 : i32
      %lt3A_214 = vector.broadcast %lt3A_213 : i32 to vector<16xi32>
      %lt3A_215 = arith.cmpi slt, %add3A_199, %lt3A_214 : vector<16xi32>
      %and3A_216 = arith.andi %eq3A_212, %lt3A_215 : vector<16xi1>
      %or3A_217 = arith.ori %and3A_211, %and3A_216 : vector<16xi1>
      %all_reduce_population_count3A_218 = tpu.all_reduce %or3A_217 {dim = 0 : i64, kind = #tpu.reduction_kind<sum>} : vector<16xi1> -> vector<16xi32>
      %add3A_219 = arith.addi %scan3A_112, %all_reduce_population_count3A_218 : vector<16xi32>
      %lt3A_220 = arith.cmpf olt, %add3A_195, %gather3A_78 : vector<16xf32>
      %and3A_221 = arith.andi %lt3A_220, %lt3A_202 : vector<16xi1>
      %eq3A_222 = arith.cmpf oeq, %add3A_195, %gather3A_78 : vector<16xf32>
      %lt3A_223 = arith.constant 21 : i32
      %lt3A_224 = vector.broadcast %lt3A_223 : i32 to vector<16xi32>
      %lt3A_225 = arith.cmpi slt, %add3A_199, %lt3A_224 : vector<16xi32>
      %and3A_226 = arith.andi %eq3A_222, %lt3A_225 : vector<16xi1>
      %or3A_227 = arith.ori %and3A_221, %and3A_226 : vector<16xi1>
      %all_reduce_population_count3A_228 = tpu.all_reduce %or3A_227 {dim = 0 : i64, kind = #tpu.reduction_kind<sum>} : vector<16xi1> -> vector<16xi32>
      %add3A_229 = arith.addi %scan3A_113, %all_reduce_population_count3A_228 : vector<16xi32>
      scf.yield %add3A_209, %add3A_219, %add3A_229 : vector<16xi32>, vector<16xi32>, vector<16xi32>
    }
    %scan3A_85 = arith.constant 37 : i32
    %eq3A = arith.constant 0 : i32
    %eq3A_86 = vector.broadcast %eq3A : i32 to vector<16xi32>
    %eq3A_87 = arith.cmpi eq, %iota3A, %eq3A_86 : vector<16xi32>
    %eq3A_88 = arith.constant 1 : i32
    %eq3A_89 = vector.broadcast %eq3A_88 : i32 to vector<16xi32>
    %eq3A_90 = arith.cmpi eq, %iota3A, %eq3A_89 : vector<16xi32>
    %select_n3A = arith.select %eq3A_90, %scan3A_84#1, %scan3A_84#2 : vector<16xi1>, vector<16xi32>
    %select_n3A_91 = arith.select %eq3A_87, %scan3A_84#0, %select_n3A : vector<16xi1>, vector<16xi32>
    %lt3A = arith.constant 3 : i32
    %lt3A_92 = vector.broadcast %lt3A : i32 to vector<16xi32>
    %lt3A_93 = arith.cmpi slt, %iota3A, %lt3A_92 : vector<16xi32>
    %jit3A = arith.constant 0 : i32
    %broadcast_in_dim3A_94 = vector.broadcast %jit3A : i32 to vector<16xi32>
    %select_n3A_95 = arith.select %lt3A_93, %select_n3A_91, %broadcast_in_dim3A_94 : vector<16xi1>, vector<16xi32>
    %convert_element_type3A = arith.sitofp %select_n3A_95 : vector<16xi32> to vector<16xf32>
    %swap3A_96 = arith.constant 0 : index
    %swap3A_97 = tpu.vector_load %arg6[%swap3A_96] {strides = array<i32>} : memref<16xf32, #tpu.memory_space<vmem>>, vector<16xf32>,
    tpu.vector_store %arg6[%swap3A_96], %convert_element_type3A {strides = array<i32>} : memref<16xf32, #tpu.memory_space<vmem>>, vector<16xf32>,
    %dma_start3A_98 = arith.constant 0 : i32
    %dma_start3A_99 = tpu.memref_slice %arg3[%arg0, %arg1, %dma_start3A_98] : memref<2x16x16xf32, #tpu.memory_space<hbm>> -> memref<1x1x16xf32, #tpu.memory_space<hbm>>
    %dma_start3A_100 = tpu.memref_squeeze %dma_start3A_99 : memref<1x1x16xf32, #tpu.memory_space<hbm>> -> memref<16xf32, #tpu.memory_space<hbm>>
    %dma_start3A_101 = arith.constant 0 : i32
    %dma_start3A_102 = tpu.memref_slice %arg3[%arg0, %arg1, %dma_start3A_101] : memref<2x16x16xf32, #tpu.memory_space<hbm>> -> memref<1x1x16xf32, #tpu.memory_space<hbm>>
    %dma_start3A_103 = tpu.memref_squeeze %dma_start3A_102 : memref<1x1x16xf32, #tpu.memory_space<hbm>> -> memref<16xf32, #tpu.memory_space<hbm>>
    tpu.enqueue_dma source(%arg6 : memref<16xf32, #tpu.memory_space<vmem>>) target(%dma_start3A_103 : memref<16xf32, #tpu.memory_space<hbm>>) target_semaphore(%arg7 : memref<!tpu.dma_semaphore, #tpu.memory_space<semaphore_mem>>)
    %dma_wait3A_104 = arith.constant 0 : i32
    %dma_wait3A_105 = tpu.memref_slice %arg3[%arg0, %arg1, %dma_wait3A_104] : memref<2x16x16xf32, #tpu.memory_space<hbm>> -> memref<1x1x16xf32, #tpu.memory_space<hbm>>
    %dma_wait3A_106 = tpu.memref_squeeze %dma_wait3A_105 : memref<1x1x16xf32, #tpu.memory_space<hbm>> -> memref<16xf32, #tpu.memory_space<hbm>>
    %dma_wait3A_107 = arith.constant 0 : i32
    %dma_wait3A_108 = tpu.memref_slice %arg3[%arg0, %arg1, %dma_wait3A_107] : memref<2x16x16xf32, #tpu.memory_space<hbm>> -> memref<1x1x16xf32, #tpu.memory_space<hbm>>
    %dma_wait3A_109 = tpu.memref_squeeze %dma_wait3A_108 : memref<1x1x16xf32, #tpu.memory_space<hbm>> -> memref<16xf32, #tpu.memory_space<hbm>>
    tpu.wait_dma2 semaphore(%arg7 : memref<!tpu.dma_semaphore, #tpu.memory_space<semaphore_mem>>) src(%arg6 : memref<16xf32, #tpu.memory_space<vmem>>) dst(%dma_wait3A_109 : memref<16xf32, #tpu.memory_space<hbm>>)
    return
  }
}

</mosaic_0001>

<sc_bundles>
// kernel: kernel.3.cloned.1.call-start
scs
__scs_entry_jumppad:
0x0: {  	(pc) =	sbr.rel $0x88, $3  }
0x1: {  	(tag) =	ssettag $0x0;
	lr =	simm.s32 $0x1  }
0x2: {  	[smem:$0x3F9F] =	sst lr;
	_ =	strace $0xD0000000  }
0x3: {  	_ = 	snop  }
0x4: {  	_ = 	snop  }
0x5: {  	_ = 	snop  }
0x6: {  	_ = 	snop  }
0x7: {  	_ = 	snop  }
__scs_overlays_trampoline_lowered:
0x8: {  	[smem:$0x3FAE] =	sst s0  }
0x9: {  	[smem:$0x3FAF] =	sst s1  }
0xa: {  	[smem:$0x3FB0] =	sst s2  }
0xb: {  	[smem:$0x3FB1] =	sst s3  }
0xc: {  	[smem:$0x3FB2] =	sst s4  }
0xd: {  	[smem:$0x3FB3] =	sst s5  }
0xe: {  	[smem:$0x3FB4] =	sst s6  }
0xf: {  	[smem:$0x3FB5] =	sst s7  }
0x10: {  	[smem:$0x3FB6] =	sst s8  }
0x11: {  	[smem:$0x3FB7] =	sst s9;
	s0 =	simm.s32 @!p0 $0x0  }
0x12: {  	s1 =	sld [smem:$0x3F9D];
	s0 =	simm.s32 @p0 $0x1  }
0x13: {  	[smem:$0x3FB8] =	sst s0;
	s0 =	simm.s32 @!p1 $0x0  }
0x14: {  	s2 =	sld [smem:$0x3F9C];
	s0 =	simm.s32 @p1 $0x1  }
0x15: {  	[smem:$0x3FB9] =	sst s0;
	s0 =	simm.s32 @!p2 $0x0  }
0x16: {  	s3 =	sld [smem:$0x3FDB];
	s0 =	simm.s32 @p2 $0x1  }
0x17: {  	s4 =	simm.s32 $0x1BF5;
	[smem:$0x3FBB] =	sst s0  }
0x18: {  	s0 =	sld [smem:$0x3F9E];
	_ =	swait.ge [sflag:s4], $0x0  }
0x19: {  	s7 =	sld [smem:$0x3F9F]  }
0x1a: {  	s8 =	sadd.s32 $0xFFFFE003, lr  }
0x1b: {  	s9 =	sadd.s32 $0xFFFFFEF7, lr;
	s5 =	simm.s32 $0xFFFFFFFF;
	p2 =	slt.u32 s8, $0xFFFFF086  }
0x1c: {  	p1 =	slt.u32 s9, $0xF7A;
	s5 =	simm.s32 @!p2 $0x0  }
0x1d: {  	s5 =	simm.s32 @p1 $0x1;
	p0 =	seq.s32 s7, s2  }
0x1e: {  	s7 =	smul.u32 @!p0 $0xF7A, s2;
	p2 =	seq.s32 @!p0 s5, $0x0  }
0x1f: {  	s9 =	smul.u32 $0xF7A, s1;
	s8 =	simm.s32 @!p0 $0x1BF5;
	p2 =	por !p2, p0  }
0x20: {  	[sflag:s8] =	ssyncset.s32 @!p0 $0xFFFFF086;
	s6 =	sadd.s32 @!p0 s3, s7;
	s7 =	simm.s32 @!p0 $0x108  }
0x21: {  	s3 =	sadd.s32 s3, s9;
	s6 =	sadd.s32 @!p0 $0x88, s6;
	s7 =	simm.s32 @p2 $0x1082  }
0x22: {  	[simem:s7], [sflag:s8] =	dma.local @!p0 [hbm:s6], $0xF7A  }
0x23: {  	s9 =	sor.u32 $0xD0000000, s2;
	s6 =	simm.s32 $0x108;
	_ =	swait.ge @!p0 [sflag:s8], $0x0  }
0x24: {  	s3 =	sadd.s32 $0x88, s3;
	s6 =	simm.s32 @!p1 $0x1082;
	[sflag:s4] =	ssyncset.s32 $0xFFFFF086  }
0x25: {  	[simem:s6], [sflag:s4] =	dma.local [hbm:s3], $0xF7A  }
0x26: {  	[smem:$0x3F9F] =	sst s1;
	(tag) =	ssettag s2;
	_ =	strace s9  }
0x27: {  	s1 =	sld [smem:$0x3FAF]  }
0x28: {  	s2 =	sld [smem:$0x3FB0]  }
0x29: {  	s4 =	sld [smem:$0x3FB2]  }
0x2a: {  	p0 =	seq.s32 s5, $0x0;
	s5 =	sld [smem:$0x3FB3]  }
0x2b: {  	s6 =	sld [smem:$0x3FB4]  }
0x2c: {  	s7 =	sld [smem:$0x3FB5]  }
0x2d: {  	s3 =	simm.s32 $0x108;
	s8 =	sld [smem:$0x3FB6]  }
0x2e: {  	s3 =	simm.s32 @!p0 $0x1082;
	s9 =	sld [smem:$0x3FB7]  }
0x2f: {  	lr =	sadd.s32 s0, s3;
	s0 =	sld [smem:$0x3FAE]  }
0x30: {  	s3 =	sld [smem:$0x3FB1]  }
0x31: {  	[smem:$0x3FBA] =	sst s10  }
0x32: {  	s10 =	sld [smem:$0x3FB8];
	_ =	sdelay $0x3  }
0x33: {  	p0 =	seq.s32 s10, $0x1;
	s10 =	sld [smem:$0x3FBA];
	_ =	sdelay $0x3  }
0x34: {  	[smem:$0x3FBA] =	sst s10  }
0x35: {  	s10 =	sld [smem:$0x3FB9];
	_ =	sdelay $0x3  }
0x36: {  	p1 =	seq.s32 s10, $0x1;
	s10 =	sld [smem:$0x3FBA];
	_ =	sdelay $0x3  }
0x37: {  	[smem:$0x3FBA] =	sst s10  }
0x38: {  	s10 =	sld [smem:$0x3FBB]  }
0x39: {  	_ = 	snop;
	(pc) =	sbr.ind lr, $3  }
0x3a: {  	_ = 	snop  }
0x3b: {  	_ = 	snop  }
0x3c: {  	p2 =	seq.s32 s10, $0x1;
	s10 =	sld [smem:$0x3FBA]  }
0x3d: {  	_ =	shalt  }
0x3e: {  	_ =	shalt  }
0x3f: {  	_ =	shalt  }
0x40: {  	_ =	shalt  }
0x41: {  	_ =	shalt  }
0x42: {  	_ =	shalt  }
0x43: {  	_ =	shalt  }
0x44: {  	_ =	shalt  }
0x45: {  	_ =	shalt  }
0x46: {  	_ =	shalt  }
0x47: {  	_ =	shalt  }
0x48: {  	_ =	shalt  }
0x49: {  	_ =	shalt  }
0x4a: {  	_ =	shalt  }
0x4b: {  	_ =	shalt  }
0x4c: {  	_ =	shalt  }
0x4d: {  	_ =	shalt  }
0x4e: {  	_ =	shalt  }
0x4f: {  	_ =	shalt  }
0x50: {  	_ =	shalt  }
0x51: {  	_ =	shalt  }
0x52: {  	_ =	shalt  }
0x53: {  	_ =	shalt  }
0x54: {  	_ =	shalt  }
0x55: {  	_ =	shalt  }
0x56: {  	_ =	shalt  }
0x57: {  	_ =	shalt  }
0x58: {  	_ =	shalt  }
0x59: {  	_ =	shalt  }
0x5a: {  	_ =	shalt  }
0x5b: {  	_ =	shalt  }
0x5c: {  	_ =	shalt  }
0x5d: {  	_ =	shalt  }
0x5e: {  	_ =	shalt  }
0x5f: {  	_ =	shalt  }
0x60: {  	_ =	shalt  }
0x61: {  	_ =	shalt  }
0x62: {  	_ =	shalt  }
0x63: {  	_ =	shalt  }
0x64: {  	_ =	shalt  }
0x65: {  	_ =	shalt  }
0x66: {  	_ =	shalt  }
0x67: {  	_ =	shalt  }
0x68: {  	_ =	shalt  }
0x69: {  	_ =	shalt  }
0x6a: {  	_ =	shalt  }
0x6b: {  	_ =	shalt  }
0x6c: {  	_ =	shalt  }
0x6d: {  	_ =	shalt  }
0x6e: {  	_ =	shalt  }
0x6f: {  	_ =	shalt  }
0x70: {  	_ =	shalt  }
0x71: {  	_ =	shalt  }
0x72: {  	_ =	shalt  }
0x73: {  	_ =	shalt  }
0x74: {  	_ =	shalt  }
0x75: {  	_ =	shalt  }
0x76: {  	_ =	shalt  }
0x77: {  	_ =	shalt  }
0x78: {  	_ =	shalt  }
0x79: {  	_ =	shalt  }
0x7a: {  	_ =	shalt  }
0x7b: {  	_ =	shalt  }
0x7c: {  	_ =	shalt  }
0x7d: {  	_ =	shalt  }
0x7e: {  	_ =	shalt  }
0x7f: {  	_ =	shalt  }
0x80: {  	_ =	shalt  }
0x81: {  	_ =	shalt  }
0x82: {  	_ =	shalt  }
0x83: {  	_ =	shalt  }
0x84: {  	_ =	shalt  }
0x85: {  	_ =	shalt  }
0x86: {  	_ =	shalt  }
0x87: {  	_ =	shalt  }
.Lfunc_end0:
.L_simem_size_0:
called_computation_lowered:
.L_overlay_start_0:
0x88: {  	s2 =	sld [smem:$0x3FD9]  }
0x89: {  	s3 =	sld [smem:$0x3FFE];
	_ =	sdelay $0x1  }
0x8a: {  	s1 =	srdreg.scid  }
0x8b: {  	s0 =	sand.u32 $0x1, s1  }
0x8c: {  	s17 =	sshll.u32 s0, $0xA;
	s2 =	sadd.s32 s3, s2  }
0x8d: {  	s2 =	sadd.s32 s2, s17  }
0x8e: {  	[smem:$0x3FC6] =	sst s2  }
0x8f: {  	_ = 	snop  }
0x90: {  	s2 =	sld [smem:$0x3FD0];
	(tm) =	ssettm $0x1  }
0x91: {  	s18 =	sld [smem:$0x3FFB];
	_ =	sdelay $0x3  }
0x92: {  	_ =	strace s18  }
0x93: {  	s3 =	sld [smem:$0x3FFC];
	_ =	sdelay $0x3  }
0x94: {  	_ =	strace s3  }
0x95: {  	s3 =	sld [smem:$0x3FFD];
	_ =	sdelay $0x3  }
0x96: {  	_ =	strace s3  }
0x97: {  	_ =	strace $0x8FFFFFFF  }
0x98: {  	s19 =	sld [smem:$0x3FDB];
	_ =	sdelay $0x1  }
0x99: {  	s4 =	simm.s32 $_scs_section_size  }
0x9a: {  	s5 =	simm.s32 $_size__tile_overlayer_lowered;
	s6 =	simm.s32 $_tile_overlayer_lowered  }
0x9b: {  	s22 =	simm.s32 $0x1BFF;
	s21 =	sshll.u32 s6, $0x1;
	s3 =	sadd.s32 s4, s19  }
0x9c: {  	s7 =	simm.s32 $0x0;
	s20 =	sshll.u32 s5, $0x1;
	s5 =	sadd.s32 s21, s3  }
0x9d: {  	[timem:s7], [sflag:s22] =	dma.local [hbm:s5], s20  }
0x9e: {  	_ =	swait.ge [sflag:s22], s20  }
0x9f: {  	s4 =	ssub.s32 $0x0, s20;
	[sflag:s22] =	ssyncset.done $0x0  }
0xa0: {  	[sflag:s22] =	ssyncadd.s32 s4;
	_ =	sdelay $0x1  }
0xa1: {  	s23 =	simm.s32 $0x1B8B  }
0xa2: {  	_ =	swait.ge [sflag:s23], $0x1  }
0xa3: {  	[sflag:s23] =	ssyncset.done $0x0  }
0xa4: {  	s25 =	simm.s32 $0x1B8E;
	s24 =	sld [smem:$0x3FFE];
	[sflag:s23] =	ssyncadd.s32 $0xFFFFFFFF  }
0xa5: {  	s26 =	simm.s32 $execute0_lowered;
	[smem:$0x3FD2] =	sst s25  }
0xa6: {  	s5 =	sshll.u32 s26, $0x1;
	_ =	strace $0x80000046;
	[dreg:$0x1] =	wrdreg $0xFFFFFFFF  }
0xa7: {  	s28 =	simm.s32 $_size_execute0_lowered;
	s3 =	sadd.s32 s3, s5;
	[dreg:$0x0] =	wrdreg $0x0  }
0xa8: {  	s5 =	sshll.u32 s28, $0x1;
	[dreg:$0x2] =	wrdreg s3  }
0xa9: {  	[dreg:$0x3] =	wrdreg s5  }
0xaa: {  	[dreg:$0x4] =	wrdreg $0xC0  }
0xab: {  	_ =	task [dreg:s7], $0x5FFFF  }
0xac: {  	[dreg:$0x1] =	wrdreg $0xFFFFFFFF  }
0xad: {  	[dreg:$0x0] =	wrdreg $0x60  }
0xae: {  	[dreg:$0x2] =	wrdreg s24  }
0xaf: {  	[dreg:$0x3] =	wrdreg s2  }
0xb0: {  	[dreg:$0x4] =	wrdreg $0x9  }
0xb1: {  	_ =	task.clear_ibuf [dreg:s7], $0x5FFFF;
	_ =	strace $0x90000046  }
0xb2: {  	s29 =	simm.s32 $0x9;
	_ =	strace $0x80000048  }
0xb3: {  	_ =	swait.ge [sflag:s29], $0x1  }
0xb4: {  	[sflag:s29] =	ssyncadd.s32 $0xFFFFFFFF  }
0xb5: {  	_ =	strace $0x90000048  }
0xb6: {  	_ =	sfence  }
0xb7: {  	s30 =	sld [smem:$0x0];
	_ =	sdelay $0x2  }
0xb8: {  	s31 =	sshll.u32 s1, $0xD;
	s1 =	sshrl.u32 s1, $0x2  }
0xb9: {  	s3 =	sand.u32 $0x4000, s31;
	s1 =	sadd.s32 s1, s30  }
0xba: {  	s0 =	sor.u32 s3, s0;
	s1 =	sshll.u32 s1, $0x11  }
0xbb: {  	s0 =	sor.u32 s1, s0  }
0xbc: {  	s0 =	sadd.s32 $0x8F2B, s0  }
0xbd: {  	[sflag:s0] =	ssyncadd.remote.s32 $0x1  }
0xbe: {  	_ =	sfence.sel $0xFFFF  }
0xbf: {  	[dreg:$0x0] =	wrdreg $0xFFFFFFFF;
	(pc) =	sbr.abs _section_cstart, $3  }
0xc0: {  	[dreg:$0x1] =	wrdreg $0xFFFFFFFF  }
0xc1: {  	_ =	task.clear_ibuf [dreg:s7], $0x2FFFF;
	_ =	strace $0x9FFFFFFF  }
0xc2: {  	(tm) =	ssettm $0x7FFFFFFF  }
0xc3: {  	_ =	shalt  }
tec
execute0_lowered:
.L_overlay_start_1:
0x0: {  	(tag) =	ssettag $0x1  }
0x1: {  	s3 =	rddreg [dreg:$0x0]  }
0x2: {  	s0 =	srdreg.scid;
	s6 =	rddreg [dreg:$0x1]  }
0x3: {  	s1 =	rddreg [dreg:$0x2];
	s2 =	simm.s32 $0x0;
	s4 =	sand.u32 $0x1, s0  }
0x4: {  	s9 =	simm.s32 $0x0;
	s0 =	stileid.u32;
	s5 =	smul.u32 $0x1BC00, s4  }
0x5: {  	[smem:$0x7FF] =	sst s2;
	s7 =	smul.u32 $0x1BC0, s0;
	s29 =	ssub.s32 $0x2, s4  }
0x6: {  	_ =	strace $0x80000047;
	s31 =	sshll.u32 s0, $0x1;
	s4 =	sshll.u32 s4, $0x5  }
0x7: {  	s8 =	sshrl.u32 s29, $0x1;
	s6 =	sadd.s32 s6, s31;
	s5 =	sadd.s32 s7, s5  }
0x8: {  	v0 =	vimm.s32 $0x3;
	s30 =	ssub.s32 s29, s8;
	s4 =	sadd.s32 s4, s6;
	s5 =	sshrl.u32 s5, $0x3  }
0x9: {  	v1 =	vimm.s32 $0x4;
	v2 =	vimm.s32 $0x5;
	v3 =	vlaneseq.u32;
	s6 =	simm.s32 $0x1;
	s7 =	simm.s32 $0x1BC0;
	s3 =	sadd.s32 s5, s3  }
0xa: {  	vm0 =	vcmask $0xB08;
	vm1 =	vmmov $0x1;
	vm2 =	vmmov $0x7;
	s8 =	simm.s32 $0x1BD0;
	s5 =	smax.u32 s30, $0x1;
	s3 =	sadd.s32 $0xE00, s3  }
.LBB2_1:
0xb: {  	[tilespmem:s2], [sflag:$0x1] =	stream.linear.gather [hbm4b:s3+s2], $0x1BC0, $0x38;
	[tilespmem:$0x1BE0] =	vst v63  }
0xc: {  	_ =	swait.ge [sflag:s6], $0x1BC0  }
0xd: {  	[sflag:s6] =	ssyncset.done $0x0  }
0xe: {  	[sflag:s6] =	ssyncadd.s32 $0xFFFFE440  }
0xf: {  	v4 =	vld [tilespmem:$0x10]  }
0x10: {  	v5 =	vld [tilespmem:$0x260];
	_ =	sdelay $0x1  }
0x11: {  	v6 =	vld [tilespmem:$0x4B0];
	_ =	sdelay $0x1  }
0x12: {  	v7 =	vld [tilespmem:$0x700]  }
0x13: {  	v4 =	vadd.f32 v5, v4  }
0x14: {  	v5 =	vld [tilespmem:$0x950]  }
0x15: {  	v4 =	vadd.f32 v6, v4  }
0x16: {  	v6 =	vld [tilespmem:$0xBA0]  }
0x17: {  	v4 =	vadd.f32 v7, v4  }
0x18: {  	v7 =	vld [tilespmem:$0xDF0]  }
0x19: {  	v4 =	vadd.f32 v5, v4  }
0x1a: {  	v5 =	vld [tilespmem:$0x1040]  }
0x1b: {  	v4 =	vadd.f32 v6, v4  }
0x1c: {  	v6 =	vld [tilespmem:$0x1290]  }
0x1d: {  	v4 =	vadd.f32 v7, v4  }
0x1e: {  	v7 =	vld [tilespmem:$0x14E0]  }
0x1f: {  	v4 =	vadd.f32 v5, v4  }
0x20: {  	v5 =	vld [tilespmem:$0x1730]  }
0x21: {  	v4 =	vadd.f32 v6, v4  }
0x22: {  	v6 =	vld [tilespmem:$0x1980]  }
0x23: {  	v4 =	vadd.f32 v7, v4;
	_ =	sdelay $0x1  }
0x24: {  	v4 =	vadd.f32 v5, v4;
	_ =	sdelay $0x1  }
0x25: {  	v4 =	vadd.f32 v6, v4;
	_ =	sdelay $0x1  }
0x26: {  	s10 =	simm.s32 $0xDE0;
	[tilespmem:$0x1BC0] =	vst v4  }
0x27: {  	v4 =	vld [tilespmem:s10+$0xFFFFF220]  }
0x28: {  	v5 =	vld [tilespmem:s10+$0xFFFFF470];
	_ =	sdelay $0x1  }
0x29: {  	v6 =	vld [tilespmem:s10+$0xFFFFF6C0];
	_ =	sdelay $0x1  }
0x2a: {  	v7 =	vld [tilespmem:s10+$0xFFFFF910]  }
0x2b: {  	v5 =	vadd.f32 v5, v4  }
0x2c: {  	v8 =	vld [tilespmem:s10+$0xFFFFFB60]  }
0x2d: {  	v9 =	vld [tilespmem:s10+$0x250];
	v5 =	vadd.f32 v6, v5  }
0x2e: {  	s12 =	simm.s32 $0xDF0;
	v6 =	vld [tilespmem:s10+$0xFFFFFDB0]  }
0x2f: {  	v10 =	vld [tilespmem:s12+$0xFFFFF470];
	v5 =	vadd.f32 v7, v5  }
0x30: {  	v7 =	vld [tilespmem:s10+$0x0]  }
0x31: {  	v11 =	vld [tilespmem:s12+$0xFFFFF6C0];
	v5 =	vadd.f32 v8, v5  }
0x32: {  	v12 =	vld [tilespmem:s12+$0xFFFFF910]  }
0x33: {  	v8 =	vld [tilespmem:s12+$0xFFFFF220];
	v5 =	vadd.f32 v6, v5  }
0x34: {  	v6 =	vld [tilespmem:s10+$0x4A0]  }
0x35: {  	v15 =	vld [tilespmem:s12+$0xFFFFFDB0];
	v5 =	vadd.f32 v7, v5  }
0x36: {  	v7 =	vld [tilespmem:s10+$0x6F0]  }
0x37: {  	v13 =	vld [tilespmem:s12+$0x0];
	v5 =	vadd.f32 v9, v5  }
0x38: {  	v8 =	vadd.f32 v10, v8;
	v9 =	vld [tilespmem:s10+$0x940]  }
0x39: {  	v10 =	vld [tilespmem:s12+$0xFFFFFB60];
	v6 =	vadd.f32 v6, v5  }
0x3a: {  	s11 =	simm.s32 $0xE00;
	v8 =	vadd.f32 v11, v8;
	v11 =	vld [tilespmem:s10+$0xB90]  }
0x3b: {  	v14 =	vld [tilespmem:s11+$0xFFFFF220];
	v7 =	vadd.f32 v7, v6  }
0x3c: {  	v8 =	vadd.f32 v12, v8;
	v6 =	vld.idx.msk [tilespmem:v2+s7+$0x0], $0xffff  }
0x3d: {  	v4 =	vld.idx.msk [tilespmem:v0+s7+$0x0], $0xffff;
	v9 =	vadd.f32 v9, v7  }
0x3e: {  	v5 =	vld.idx.msk [tilespmem:v1+s7+$0x0], $0xffff;
	v8 =	vadd.f32 v10, v8;
	v10 =	vor.u32 s2, v3;
	v7 =	vimm.s32 $0x0  }
0x3f: {  	v12 =	vld [tilespmem:s12+$0x250];
	vm3 =	vlt.u32 v10, $0x241;
	vm4 =	vlt.u32 v10, $0x13;
	v11 =	vadd.f32 v11, v9  }
0x40: {  	s13 =	simm.s32 $0x10;
	s14 =	simm.s32 $0x30;
	s10 =	simm.s32 $0x20;
	v16 =	vadd.f32 v15, v8;
	v15 =	vld [tilespmem:s11+$0xFFFFF470];
	v8 =	vimm.s32 $0x0;
	v9 =	vimm.s32 $0x0  }
.LBB2_2:
0x41: {  	p0 =	sne.s32 s14, $0x240;
	v17 =	vld [tilespmem:s12+$0x4A0];
	vm5 =	vlt.f32 v11, v6;
	vm6 =	veq.f32 v11, v6;
	vm7 =	vlt.u32 v10, $0x15  }
0x42: {  	v18 =	vld [tilespmem:s11+$0xFFFFF6C0];
	v13 =	vadd.f32 v13, v16;
	vm5 =	vmand vm3, vm5;
	vm6 =	vmand vm7, vm6  }
0x43: {  	vm8 =	veq.f32 v11, v4;
	vm7 =	vlt.f32 v11, v4;
	v16 =	vld [tilespmem:s12+$0x6F0];
	vm5 =	vmor vm5, vm6  }
0x44: {  	vm6 =	vlt.f32 v11, v5;
	v19 =	vld [tilespmem:s11+$0xFFFFF910];
	v12 =	vadd.f32 v12, v13;
	v13 =	vmpcnt.ones.xlane vm5  }
0x45: {  	vm9 =	vlt.u32 v10, $0x14;
	vm5 =	veq.f32 v11, v5;
	v14 =	vadd.f32 v15, v14;
	v15 =	vld [tilespmem:s12+$0x940]  }
0x46: {  	vm7 =	vmand vm3, vm7;
	v10 =	vld [tilespmem:s11+$0xFFFFFB60];
	v11 =	vadd.f32 v17, v12;
	v7 =	vadd.s32 v7, v13  }
0x47: {  	vm4 =	vmand vm4, vm8;
	vm3 =	vmand vm3, vm6;
	v12 =	vadd.f32 v18, v14;
	v17 =	vld [tilespmem:s12+$0xB90];
	s12 =	smov.u32 s11  }
0x48: {  	vm4 =	vmor vm7, vm4;
	vm5 =	vmand vm9, vm5;
	v18 =	vld [tilespmem:s11+$0xFFFFFDB0];
	v11 =	vadd.f32 v16, v11  }
.Ltmp0:
0x49: {  	vm3 =	vmor vm3, vm5;
	v14 =	vmpcnt.ones.xlane vm4;
	v12 =	vadd.f32 v19, v12;
	(pc) =	sbr.rel @p0 .LBB2_2-.Ltmp0, $4  }
0x4a: {  	v13 =	vld [tilespmem:s11+$0x0];
	v11 =	vadd.f32 v15, v11;
	v15 =	vmpcnt.ones.xlane vm3  }
0x4b: {  	v9 =	vadd.s32 v9, v14;
	s11 =	sadd.s32 $0x10, s11;
	v16 =	vadd.f32 v10, v12;
	v12 =	vld [tilespmem:s12+$0x250]  }
0x4c: {  	v10 =	vor.u32 s13, v3;
	s13 =	smov.u32 s10;
	s10 =	smov.u32 s14;
	v14 =	vld [tilespmem:s11+$0xFFFFF220];
	v11 =	vadd.f32 v17, v11;
	v8 =	vadd.s32 v8, v15  }
0x4d: {  	s14 =	sadd.s32 $0x10, s14;
	vm3 =	vlt.u32 v10, $0x241;
	vm4 =	vlt.u32 v10, $0x13;
	v15 =	vld [tilespmem:s11+$0xFFFFF470];
	v16 =	vadd.f32 v18, v16  }
0x4e: {  	_ = 	snop  }
0x4f: {  	v17 =	vld [tilespmem:s11+$0xFFFFF6C0];
	_ =	sdelay $0x1  }
0x50: {  	v18 =	vld [tilespmem:s11+$0xFFFFF910];
	vm5 =	vlt.f32 v11, v6  }
0x51: {  	v19 =	vld [tilespmem:s12+$0x4A0];
	vm6 =	veq.f32 v11, v6;
	vm7 =	vlt.u32 v10, $0x15;
	v14 =	vadd.f32 v15, v14  }
0x52: {  	v41 =	vld [tilespmem:s11+$0xFFFFFB60];
	vm13 =	vlt.f32 v11, v4;
	vm8 =	veq.f32 v11, v4;
	v13 =	vadd.f32 v13, v16  }
0x53: {  	v42 =	vld [tilespmem:s12+$0x6F0];
	vm14 =	vlt.f32 v11, v5;
	vm15 =	veq.f32 v11, v5;
	v14 =	vadd.f32 v17, v14  }
0x54: {  	v43 =	vld [tilespmem:s11+$0xFFFFFDB0];
	vm9 =	vlt.u32 v10, $0x14;
	v54 =	vor.u32 s13, v3;
	v12 =	vadd.f32 v12, v13  }
0x55: {  	v44 =	vld [tilespmem:s12+$0x940];
	v59 =	vor.u32 s10, v3;
	vm5 =	vmand vm3, vm5;
	v14 =	vadd.f32 v18, v14  }
0x56: {  	v47 =	vld [tilespmem:s11+$0x0];
	vm6 =	vmand vm7, vm6;
	vm7 =	vmand vm3, vm13;
	v46 =	vadd.f32 v19, v12  }
0x57: {  	v48 =	vld [tilespmem:s12+$0xB90];
	vm4 =	vmand vm4, vm8;
	vm3 =	vmand vm3, vm14;
	v14 =	vadd.f32 v41, v14  }
0x58: {  	v49 =	vld [tilespmem:s11+$0x250];
	vm13 =	vlt.u32 v54, $0x15;
	vm10 =	vlt.u32 v59, $0x15;
	v11 =	vadd.f32 v42, v46  }
0x59: {  	vm5 =	vmor vm5, vm6;
	vm4 =	vmor vm7, vm4;
	v13 =	vadd.f32 v43, v14  }
0x5a: {  	v51 =	vld [tilespmem:s11+$0x4A0];
	v45 =	vmpcnt.ones.xlane vm5;
	vm5 =	vmand vm9, vm15;
	v11 =	vadd.f32 v44, v11  }
0x5b: {  	v50 =	vmpcnt.ones.xlane vm4;
	vm3 =	vmor vm3, vm5;
	v12 =	vadd.f32 v47, v13  }
0x5c: {  	v53 =	vld [tilespmem:s11+$0x6F0];
	vm4 =	vlt.u32 v54, $0x13;
	v52 =	vmpcnt.ones.xlane vm3;
	v10 =	vadd.f32 v48, v11  }
0x5d: {  	v7 =	vadd.s32 v7, v45;
	v9 =	vadd.s32 v9, v50;
	v12 =	vadd.f32 v49, v12  }
0x5e: {  	v55 =	vld [tilespmem:s11+$0x940];
	vm3 =	vlt.u32 v54, $0x241;
	v8 =	vadd.s32 v8, v52;
	vm11 =	vlt.f32 v10, v6  }
0x5f: {  	vm12 =	veq.f32 v10, v6;
	vm14 =	vlt.f32 v10, v4;
	v12 =	vadd.f32 v51, v12  }
0x60: {  	v56 =	vld [tilespmem:s11+$0xB90];
	vm15 =	veq.f32 v10, v4;
	vm5 =	vmand vm3, vm11;
	vm6 =	vmand vm13, vm12  }
0x61: {  	vm12 =	vlt.f32 v10, v5;
	vm13 =	veq.f32 v10, v5;
	v11 =	vadd.f32 v53, v12  }
0x62: {  	vm7 =	vmand vm3, vm14;
	vm4 =	vmand vm4, vm15;
	vm14 =	vlt.u32 v54, $0x14  }
0x63: {  	vm5 =	vmor vm5, vm6;
	vm3 =	vmand vm3, vm12;
	v58 =	vadd.f32 v55, v11  }
0x64: {  	vm4 =	vmor vm7, vm4;
	vm6 =	vlt.u32 v59, $0x13;
	v57 =	vmpcnt.ones.xlane vm5  }
0x65: {  	vm5 =	vmand vm14, vm13;
	v60 =	vmpcnt.ones.xlane vm4;
	v10 =	vadd.f32 v56, v58  }
0x66: {  	vm4 =	vlt.u32 v59, $0x241;
	vm14 =	vlt.u32 v59, $0x14;
	vm3 =	vmor vm3, vm5  }
0x67: {  	v61 =	vmpcnt.ones.xlane vm3;
	vm15 =	vlt.f32 v10, v6;
	vm9 =	veq.f32 v10, v6  }
0x68: {  	vm7 =	vlt.f32 v10, v4;
	vm12 =	vlt.f32 v10, v5;
	vm13 =	veq.f32 v10, v5  }
0x69: {  	vm3 =	vmand vm4, vm15;
	vm11 =	vmand vm10, vm9;
	vm8 =	vmand vm14, vm13  }
0x6a: {  	vm15 =	veq.f32 v10, v4;
	vm5 =	vmand vm4, vm12;
	vm4 =	vmand vm4, vm7  }
0x6b: {  	vm3 =	vmor vm3, vm11;
	vm6 =	vmand vm6, vm15;
	vm5 =	vmor vm5, vm8  }
0x6c: {  	v4 =	vmpcnt.ones.xlane vm3;
	vm3 =	vmor vm4, vm6;
	v5 =	vmpcnt.ones.xlane vm5  }
0x6d: {  	v7 =	vadd.s32 v7, v57;
	v6 =	vadd.s32 v8, v61;
	v62 =	vmpcnt.ones.xlane vm3  }
0x6e: {  	v9 =	vadd.s32 v9, v60;
	v4 =	vadd.s32 v7, v4;
	v5 =	vadd.s32 v6, v5  }
0x6f: {  	v63 =	vadd.s32 v9, v62;
	v4 =	vsel vm0, v4, v5  }
0x70: {  	v4 =	vsel vm1, v63, v4  }
0x71: {  	v4 =	vnsel vm2, $0x0, v4  }
0x72: {  	s9 =	sadd.s32 $0x1, s9;
	v4 =	vcvt.s32.f32 v4  }
0x73: {  	p0 =	sne.s32 s9, s5  }
.Ltmp1:
0x74: {  	[tilespmem:$0x1BD0] =	vst v4;
	(pc) =	sbr.rel @p0 .LBB2_1-.Ltmp1, $4  }
0x75: {  	[hbm4b:s4+s2] =	stream.linear.scatter [tilespmem:s8], [sflag:$0x1], $0x10, $0x38;
	[tilespmem:$0x1BE0] =	vst v63  }
0x76: {  	_ =	swait.ge [sflag:s6], $0x10  }
0x77: {  	[sflag:s6] =	ssyncset.done $0x0  }
0x78: {  	[sflag:s6] =	ssyncadd.s32 $0xFFFFFFF0  }
0x79: {  	_ =	sfence.sel $0x180000  }
0x7a: {  	[bflag:$0x0] =	sbarrier.arrive $0xFFFF  }
0x7b: {  	p0 =	sne.s32 s0, $0x0;
	_ =	strace $0x90000047  }
0x7c: {  	s0 =	sadd.s32 @!p0 $0x100000, s1;
	[bflag:$0x2] =	sbarrier.arrive $0xFFFF  }
0x7d: {  	[sflag:s0] =	ssyncadd.tile.s32 @!p0 $0x1;
	_ =	shalt  }
.Lfunc_end2:
_tile_overlayer_lowered:
.L_overlay_start_2:
0x7e: {  	(tag) =	ssettag $0x2  }
0x7f: {  	s0 =	rddreg [dreg:$0x0];
	s2 =	stileid.u32  }
0x80: {  	s1 =	rddreg [dreg:$0x1];
	p0 =	sne.s32 s2, $0x0  }
0x81: {  	s3 =	rddreg [dreg:$0x2];
	[bflag:$0x3] =	sbarrier.arrive $0xFFFF;
	s2 =	simm.s32 @!p0 $0x1C02  }
0x82: {  	[timem:s3], [sflag:s2] =	dma.local @!p0 [hbm:s0], s1  }
0x83: {  	s0 =	simm.s32 @!p0 $0x2  }
0x84: {  	_ =	swait.ge @!p0 [sflag:s0], s1  }
0x85: {  	s1 =	ssub.s32 @!p0 $0x0, s1;
	[sflag:s0] =	ssyncset.done @!p0 $0x0  }
0x86: {  	[sflag:s0] =	ssyncadd.s32 @!p0 s1  }
0x87: {  	[bflag:$0x3] =	sbarrier.arrive $0xFFFF  }
0x88: {  	_ =	shalt  }

</sc_bundles>
